<compile_context>
chip_gen: v7x
topology: tpu7x:2x2x1
jax: 0.10.2.dev20260603
libtpu: 0.0.44.dev20260713+nightly
codegen_flags: <defaults>
</compile_context>

<pallas_src>
import functools

import jax
import jax.numpy as jnp
from jax import lax
from jax.experimental import pallas as pl
from jax.experimental.pallas import tpu as pltpu
from jax.experimental.pallas import tpu_sc as plsc

K = 100000
Q = 16
F = 64
BK = 5000
NB = K // BK


def _argmin_body(x_ref, audio_ref, dummy_ref, idx_ref, loss_ref, rmin_ref, ridx_ref):
    pid = pl.program_id(0)
    xm = jnp.mean(x_ref[...], axis=1)
    blk = audio_ref[...]
    dots = lax.dot_general(blk, xm, (((1,), (1,)), ((), ())),
                           preferred_element_type=jnp.float32,
                           precision=lax.Precision.HIGHEST)
    rnorm = jnp.sum(blk * blk, axis=1, keepdims=True)
    scores = rnorm - 2.0 * dots

    bmin = jnp.min(scores, axis=0, keepdims=True)
    rows = lax.broadcasted_iota(jnp.int32, (BK, Q), 0) + pid * BK
    bidx = jnp.min(jnp.where(scores == bmin, rows, K), axis=0, keepdims=True)

    @pl.when(pid == 0)
    def _():
        rmin_ref[...] = bmin
        ridx_ref[...] = bidx

    @pl.when(pid > 0)
    def _():
        upd = bmin < rmin_ref[...]
        rmin_ref[...] = jnp.where(upd, bmin, rmin_ref[...])
        ridx_ref[...] = jnp.where(upd, bidx, ridx_ref[...])

    @pl.when(pid == NB - 1)
    def _():
        idx_ref[...] = ridx_ref[...]
        loss_ref[...] = jnp.sum(dummy_ref[...], keepdims=True)


_argmin_call = pl.pallas_call(
    _argmin_body,
    grid=(NB,),
    in_specs=[
        pl.BlockSpec((Q, 20, F), lambda i: (0, 0, 0)),
        pl.BlockSpec((BK, F), lambda i: (i, 0)),
        pl.BlockSpec((1, 1), lambda i: (0, 0)),
    ],
    out_specs=[
        pl.BlockSpec((1, Q), lambda i: (0, 0)),
        pl.BlockSpec((1, 1), lambda i: (0, 0)),
    ],
    out_shape=[
        jax.ShapeDtypeStruct((1, Q), jnp.int32),
        jax.ShapeDtypeStruct((1, 1), jnp.float32),
    ],
    scratch_shapes=[
        pltpu.VMEM((1, Q), jnp.float32),
        pltpu.VMEM((1, Q), jnp.int32),
    ],
)


@functools.lru_cache(maxsize=1)
def _make_gather():
    mesh = plsc.VectorSubcoreMesh(core_axis_name="c", subcore_axis_name="s")
    rows_per_core = Q // 2
    D = 20 * 32

    @functools.partial(
        pl.kernel, mesh=mesh,
        out_type=jax.ShapeDtypeStruct((Q, D), jnp.float32),
        scratch_types=[
            pltpu.VMEM((rows_per_core,), jnp.int32),
            pltpu.VMEM((rows_per_core, D), jnp.float32),
            pltpu.SemaphoreType.DMA,
        ],
    )
    def gather_k(pose_hbm, idx_hbm, out_hbm, idx_v, rows_v, sem):
        cid = lax.axis_index("c")
        sid = lax.axis_index("s")

        @pl.when(sid == 0)
        def _():
            base = cid * rows_per_core
            pltpu.sync_copy(idx_hbm.at[pl.ds(base, rows_per_core)], idx_v)
            pltpu.async_copy(pose_hbm.at[idx_v], rows_v, sem).wait()
            pltpu.sync_copy(rows_v, out_hbm.at[pl.ds(base, rows_per_core)])

    return gather_k


@jax.jit
def kernel(x, y, audio, pose, dummy):
    idx2d, loss = _argmin_call(x[0], audio, dummy.reshape(1, 1))
    pose2d = pose.reshape(K, 20 * 32)
    out = _make_gather()(pose2d, idx2d.reshape(Q)).reshape(Q, 20, 32)
    return (out, loss[0, 0])

# --- scband reference (transcript-rebuilt; emitter-appended) ---
"""Pipeline reference for scband-nn-g-88656714925147 (READ-ONLY COPY).

The authoritative reference and input builder live on the scoring server;
editing this copy changes nothing except your own understanding.
"""

import jax, jax.numpy as jnp
import numpy as np


def setup_inputs(seed: int = 0) -> dict:
    key = jax.random.key(seed)
    k1, k2, k3, k4 = jax.random.split(key, 4)
    x = jax.random.normal(k1, (1, 16, 20, 64), dtype=jnp.float32)
    y = jax.random.normal(k2, (16, 20, 32), dtype=jnp.float32)
    audio = jax.random.normal(k3, (100000, 64), dtype=jnp.float32)
    pose = jax.random.normal(k4, (100000, 20, 32), dtype=jnp.float32)
    dummy = jnp.zeros((1,), dtype=jnp.float32)
    return {"x": x, "y": y, "audio": audio, "pose": pose, "dummy": dummy}


def reference(x, y, audio, pose, dummy):
    # x: [1, Q, T, F]; x[0].mean(1) -> [Q, F] query descriptors
    xm = jnp.mean(x[0], axis=1)
    # brute-force squared-L2 (mean over feature dim): [K, Q]
    diff = audio[:, None, :] - xm[None, :, :]
    mse = jnp.mean(diff * diff, axis=-1)
    # nearest neighbor over database dim K
    min_mse = jnp.min(mse, axis=0)
    idx = jnp.argmin(mse, axis=0)
    # retrieve pose sequences for nearest neighbors: [Q, T, P]
    out = jnp.take(pose, idx, axis=0)
    internal_loss = jnp.sum(dummy)
    return (out, internal_loss)

if __name__ == "__main__":
    import jax
    _d = setup_inputs()
    print(jax.jit(kernel)(*tuple(_d.values())))

</pallas_src>

<mosaic_0001>
#map = affine_map<(d0, d1) -> (0, 0)>
#map1 = affine_map<(d0, d1) -> (0)>
module attributes {stable_mosaic.version = 14 : i64} {
  func.func @gather_k(%arg0: i32, %arg1: i32, %arg2: memref<100000x640xf32, #tpu.memory_space<hbm>>, %arg3: memref<16xi32, #tpu.memory_space<hbm>>, %arg4: memref<16x640xf32, #tpu.memory_space<hbm>>, %arg5: memref<8xi32, #tpu.memory_space<vmem>>, %arg6: memref<8x640xf32, #tpu.memory_space<vmem>>, %arg7: memref<!tpu.dma_semaphore, #tpu.memory_space<semaphore_mem>>) attributes {dimension_semantics = [#tpu.dimension_semantics<core_parallel>, #tpu.dimension_semantics<subcore_parallel>], iteration_bounds = array<i64: 2, 16>, scalar_prefetch = 0 : i64, scratch_operands = 3 : i64, tpu.core_type = #tpu.core_type<sc_vector_subcore>, window_params = [{transform_indices = #map}, {transform_indices = #map1}, {transform_indices = #map}]} {
    %eq3A = arith.constant 0 : i32
    %eq3A_0 = arith.cmpi eq, %arg1, %eq3A : i32
    %convert_element_type3A = arith.extui %eq3A_0 : i1 to i32
    %cond3A = arith.constant 0 : i32
    %cond3A_1 = arith.cmpi ne, %convert_element_type3A, %cond3A : i32
    scf.if %cond3A_1 {
      %mul3A = arith.constant 8 : i32
      %mul3A_2 = arith.muli %arg0, %mul3A : i32
      "tpu.region"() ({
        %run_scoped3A = tpu.sem_alloc : memref<!tpu.dma_semaphore, #tpu.memory_space<semaphore_mem>>
        %dma_start3A_7 = tpu.memref_slice %arg3[%mul3A_2] : memref<16xi32, #tpu.memory_space<hbm>> -> memref<8xi32, #tpu.memory_space<hbm>>
        %dma_start3A_8 = tpu.memref_slice %arg3[%mul3A_2] : memref<16xi32, #tpu.memory_space<hbm>> -> memref<8xi32, #tpu.memory_space<hbm>>
        tpu.enqueue_dma source(%dma_start3A_8 : memref<8xi32, #tpu.memory_space<hbm>>) target(%arg5 : memref<8xi32, #tpu.memory_space<vmem>>) target_semaphore(%run_scoped3A : memref<!tpu.dma_semaphore, #tpu.memory_space<semaphore_mem>>)
        %dma_wait3A_9 = tpu.memref_slice %arg3[%mul3A_2] : memref<16xi32, #tpu.memory_space<hbm>> -> memref<8xi32, #tpu.memory_space<hbm>>
        %dma_wait3A_10 = tpu.memref_slice %arg3[%mul3A_2] : memref<16xi32, #tpu.memory_space<hbm>> -> memref<8xi32, #tpu.memory_space<hbm>>
        tpu.wait_dma2 semaphore(%run_scoped3A : memref<!tpu.dma_semaphore, #tpu.memory_space<semaphore_mem>>) src(%dma_wait3A_10 : memref<8xi32, #tpu.memory_space<hbm>>) dst(%arg5 : memref<8xi32, #tpu.memory_space<vmem>>)
        tpu.yield
      }) : () -> ()
      %dma_start3A = arith.constant 0 : i32
      %dma_start3A_3 = arith.constant 0 : i32
      %dma_start3A_4 = tpu.memref_slice %arg2[%dma_start3A, %dma_start3A_3] : memref<100000x640xf32, #tpu.memory_space<hbm>> -> memref<100000x640xf32, #tpu.memory_space<hbm>>
      tpu.enqueue_indirect_dma source(%dma_start3A_4 : memref<100000x640xf32, #tpu.memory_space<hbm>>) target(%arg6 : memref<8x640xf32, #tpu.memory_space<vmem>>) offsets(%arg5 : memref<8xi32, #tpu.memory_space<vmem>>) semaphore(%arg7 : memref<!tpu.dma_semaphore, #tpu.memory_space<semaphore_mem>>)
      %dma_wait3A = arith.constant 0 : i32
      %dma_wait3A_5 = arith.constant 0 : i32
      %dma_wait3A_6 = tpu.memref_slice %arg2[%dma_wait3A, %dma_wait3A_5] : memref<100000x640xf32, #tpu.memory_space<hbm>> -> memref<100000x640xf32, #tpu.memory_space<hbm>>
      tpu.wait_indirect_dma semaphore(%arg7 : memref<!tpu.dma_semaphore, #tpu.memory_space<semaphore_mem>>) src(%dma_wait3A_6 : memref<100000x640xf32, #tpu.memory_space<hbm>>) dst(%arg6 : memref<8x640xf32, #tpu.memory_space<vmem>>)
      "tpu.region"() ({
        %run_scoped3A = tpu.sem_alloc : memref<!tpu.dma_semaphore, #tpu.memory_space<semaphore_mem>>
        %dma_start3A_7 = arith.constant 0 : i32
        %dma_start3A_8 = tpu.memref_slice %arg4[%mul3A_2, %dma_start3A_7] : memref<16x640xf32, #tpu.memory_space<hbm>> -> memref<8x640xf32, #tpu.memory_space<hbm>>
        %dma_start3A_9 = arith.constant 0 : i32
        %dma_start3A_10 = tpu.memref_slice %arg4[%mul3A_2, %dma_start3A_9] : memref<16x640xf32, #tpu.memory_space<hbm>> -> memref<8x640xf32, #tpu.memory_space<hbm>>
        tpu.enqueue_dma source(%arg6 : memref<8x640xf32, #tpu.memory_space<vmem>>) target(%dma_start3A_10 : memref<8x640xf32, #tpu.memory_space<hbm>>) target_semaphore(%run_scoped3A : memref<!tpu.dma_semaphore, #tpu.memory_space<semaphore_mem>>)
        %dma_wait3A_11 = arith.constant 0 : i32
        %dma_wait3A_12 = tpu.memref_slice %arg4[%mul3A_2, %dma_wait3A_11] : memref<16x640xf32, #tpu.memory_space<hbm>> -> memref<8x640xf32, #tpu.memory_space<hbm>>
        %dma_wait3A_13 = arith.constant 0 : i32
        %dma_wait3A_14 = tpu.memref_slice %arg4[%mul3A_2, %dma_wait3A_13] : memref<16x640xf32, #tpu.memory_space<hbm>> -> memref<8x640xf32, #tpu.memory_space<hbm>>
        tpu.wait_dma2 semaphore(%run_scoped3A : memref<!tpu.dma_semaphore, #tpu.memory_space<semaphore_mem>>) src(%arg6 : memref<8x640xf32, #tpu.memory_space<vmem>>) dst(%dma_wait3A_14 : memref<8x640xf32, #tpu.memory_space<hbm>>)
        tpu.yield
      }) : () -> ()
    } else {
    }
    return
  }
}

module attributes {stable_mosaic.version = 14 : i64} {
  func.func @_argmin_body(%arg0: i32, %arg1: memref<16x20x64xf32, #tpu.memory_space<vmem>>, %arg2: memref<5000x64xf32, #tpu.memory_space<vmem>>, %arg3: memref<1x1xf32, #tpu.memory_space<vmem>>, %arg4: memref<1x16xi32, #tpu.memory_space<vmem>>, %arg5: memref<1x1xf32, #tpu.memory_space<vmem>>, %arg6: memref<1x16xf32, #tpu.memory_space<vmem>>, %arg7: memref<1x16xi32, #tpu.memory_space<vmem>>) attributes {dimension_semantics = [#tpu.dimension_semantics<arbitrary>], iteration_bounds = array<i64: 20>, scalar_prefetch = 0 : i64, scratch_operands = 2 : i64, tpu.core_type = #tpu.core_type<tc>, window_params = [{pipeline_mode = #tpu.pipeline_mode<synchronous>, transform_indices = @transform_0, window_bounds = array<i64: 16, 20, 64>}, {transform_indices = @transform_1, window_bounds = array<i64: 5000, 64>}, {pipeline_mode = #tpu.pipeline_mode<synchronous>, transform_indices = @transform_2, window_bounds = array<i64: 1, 1>}, {pipeline_mode = #tpu.pipeline_mode<synchronous>, transform_indices = @transform_3, window_bounds = array<i64: 1, 16>}, {pipeline_mode = #tpu.pipeline_mode<synchronous>, transform_indices = @transform_4, window_bounds = array<i64: 1, 1>}]} {
    %get3A = arith.constant 0 : index
    %get3A_0 = arith.constant 0 : index
    %get3A_1 = arith.constant 0 : index
    %get3A_2 = vector.load %arg1[%get3A, %get3A_0, %get3A_1] : memref<16x20x64xf32, #tpu.memory_space<vmem>>, vector<16x20x64xf32>
    %reduce_sum3A = arith.constant dense<0.000000e+00> : vector<16x64xf32>
    %reduce_sum3A_3 = vector.multi_reduction <add>, %get3A_2, %reduce_sum3A [1] : vector<16x20x64xf32> to vector<16x64xf32>
    %div3A = arith.constant 2.000000e+01 : f32
    %div3A_4 = vector.broadcast %div3A : f32 to vector<16x64xf32>
    %div3A_5 = arith.divf %reduce_sum3A_3, %div3A_4 : vector<16x64xf32>
    %get3A_6 = arith.constant 0 : index
    %get3A_7 = arith.constant 0 : index
    %get3A_8 = vector.load %arg2[%get3A_6, %get3A_7] : memref<5000x64xf32, #tpu.memory_space<vmem>>, vector<5000x64xf32>
    %dot_general3A = arith.constant dense<0.000000e+00> : vector<5000x16xf32>
    %dot_general3A_9 = tpu.matmul %get3A_8, %div3A_5, %dot_general3A {dimension_numbers = #tpu.dot_dimension_numbers<[1], [1], [0], [0], [0, 0, 1, 0], [], []>, precision = #tpu.contract_precision<fp32>, transpose_lhs_hint = false} : vector<5000x64xf32>, vector<16x64xf32>, vector<5000x16xf32> -> vector<5000x16xf32>
    %mul3A = arith.mulf %get3A_8, %get3A_8 : vector<5000x64xf32>
    %reduce_sum3A_10 = arith.constant dense<0.000000e+00> : vector<5000xf32>
    %reduce_sum3A_11 = vector.multi_reduction <add>, %mul3A, %reduce_sum3A_10 [1] : vector<5000x64xf32> to vector<5000xf32>
    %broadcast_in_dim3A = vector.shape_cast %reduce_sum3A_11 : vector<5000xf32> to vector<5000x1xf32>
    %mul3A_12 = arith.constant 2.000000e+00 : f32
    %mul3A_13 = vector.broadcast %mul3A_12 : f32 to vector<5000x16xf32>
    %mul3A_14 = arith.mulf %mul3A_13, %dot_general3A_9 : vector<5000x16xf32>
    %sub3A = vector.broadcast %broadcast_in_dim3A : vector<5000x1xf32> to vector<5000x16xf32>
    %sub3A_15 = arith.subf %sub3A, %mul3A_14 : vector<5000x16xf32>
    %reduce_min3A = arith.constant dense<0x7F800000> : vector<16xf32>
    %reduce_min3A_16 = vector.multi_reduction <minimumf>, %sub3A_15, %reduce_min3A [0] : vector<5000x16xf32> to vector<16xf32>
    %broadcast_in_dim3A_17 = vector.shape_cast %reduce_min3A_16 : vector<16xf32> to vector<1x16xf32>
    %iota3A = tpu.iota {dimensions = array<i32: 0>} : vector<5000x16xi32>
    %mul3A_18 = arith.constant 5000 : i32
    %mul3A_19 = arith.muli %arg0, %mul3A_18 : i32
    %add3A = vector.broadcast %mul3A_19 : i32 to vector<5000x16xi32>
    %add3A_20 = arith.addi %iota3A, %add3A : vector<5000x16xi32>
    %eq3A = vector.broadcast %broadcast_in_dim3A_17 : vector<1x16xf32> to vector<5000x16xf32>
    %eq3A_21 = arith.cmpf oeq, %sub3A_15, %eq3A : vector<5000x16xf32>
    %jit3A = arith.constant 100000 : i32
    %broadcast_in_dim3A_22 = vector.broadcast %jit3A : i32 to vector<5000x16xi32>
    %select_n3A = arith.select %eq3A_21, %add3A_20, %broadcast_in_dim3A_22 : vector<5000x16xi1>, vector<5000x16xi32>
    %reduce_min3A_23 = arith.constant dense<2147483647> : vector<16xi32>
    %reduce_min3A_24 = vector.multi_reduction <minsi>, %select_n3A, %reduce_min3A_23 [0] : vector<5000x16xi32> to vector<16xi32>
    %broadcast_in_dim3A_25 = vector.shape_cast %reduce_min3A_24 : vector<16xi32> to vector<1x16xi32>
    %eq3A_26 = arith.constant 0 : i32
    %eq3A_27 = arith.cmpi eq, %arg0, %eq3A_26 : i32
    %convert_element_type3A = arith.extui %eq3A_27 : i1 to i32
    %cond3A = arith.constant 0 : i32
    %cond3A_28 = arith.cmpi ne, %convert_element_type3A, %cond3A : i32
    scf.if %cond3A_28 {
      %swap3A = arith.constant 0 : index
      %swap3A_38 = arith.constant 0 : index
      %swap3A_39 = vector.load %arg6[%swap3A, %swap3A_38] : memref<1x16xf32, #tpu.memory_space<vmem>>, vector<1x16xf32>
      tpu.vector_store %arg6[%swap3A, %swap3A_38], %broadcast_in_dim3A_17 {strides = array<i32>} : memref<1x16xf32, #tpu.memory_space<vmem>>, vector<1x16xf32>,
      %swap3A_40 = arith.constant 0 : index
      %swap3A_41 = arith.constant 0 : index
      %swap3A_42 = vector.load %arg7[%swap3A_40, %swap3A_41] : memref<1x16xi32, #tpu.memory_space<vmem>>, vector<1x16xi32>
      tpu.vector_store %arg7[%swap3A_40, %swap3A_41], %broadcast_in_dim3A_25 {strides = array<i32>} : memref<1x16xi32, #tpu.memory_space<vmem>>, vector<1x16xi32>,
    } else {
    }
    %gt3A = arith.constant 0 : i32
    %gt3A_29 = arith.cmpi sgt, %arg0, %gt3A : i32
    %convert_element_type3A_30 = arith.extui %gt3A_29 : i1 to i32
    %cond3A_31 = arith.constant 0 : i32
    %cond3A_32 = arith.cmpi ne, %convert_element_type3A_30, %cond3A_31 : i32
    scf.if %cond3A_32 {
      %get3A_38 = arith.constant 0 : index
      %get3A_39 = arith.constant 0 : index
      %get3A_40 = vector.load %arg6[%get3A_38, %get3A_39] : memref<1x16xf32, #tpu.memory_space<vmem>>, vector<1x16xf32>
      %lt3A = arith.cmpf olt, %broadcast_in_dim3A_17, %get3A_40 : vector<1x16xf32>
      %get3A_41 = arith.constant 0 : index
      %get3A_42 = arith.constant 0 : index
      %get3A_43 = vector.load %arg6[%get3A_41, %get3A_42] : memref<1x16xf32, #tpu.memory_space<vmem>>, vector<1x16xf32>
      %select_n3A_44 = arith.select %lt3A, %broadcast_in_dim3A_17, %get3A_43 : vector<1x16xi1>, vector<1x16xf32>
      %swap3A = arith.constant 0 : index
      %swap3A_45 = arith.constant 0 : index
      %swap3A_46 = vector.load %arg6[%swap3A, %swap3A_45] : memref<1x16xf32, #tpu.memory_space<vmem>>, vector<1x16xf32>
      tpu.vector_store %arg6[%swap3A, %swap3A_45], %select_n3A_44 {strides = array<i32>} : memref<1x16xf32, #tpu.memory_space<vmem>>, vector<1x16xf32>,
      %get3A_47 = arith.constant 0 : index
      %get3A_48 = arith.constant 0 : index
      %get3A_49 = vector.load %arg7[%get3A_47, %get3A_48] : memref<1x16xi32, #tpu.memory_space<vmem>>, vector<1x16xi32>
      %select_n3A_50 = arith.select %lt3A, %broadcast_in_dim3A_25, %get3A_49 : vector<1x16xi1>, vector<1x16xi32>
      %swap3A_51 = arith.constant 0 : index
      %swap3A_52 = arith.constant 0 : index
      %swap3A_53 = vector.load %arg7[%swap3A_51, %swap3A_52] : memref<1x16xi32, #tpu.memory_space<vmem>>, vector<1x16xi32>
      tpu.vector_store %arg7[%swap3A_51, %swap3A_52], %select_n3A_50 {strides = array<i32>} : memref<1x16xi32, #tpu.memory_space<vmem>>, vector<1x16xi32>,
    } else {
    }
    %eq3A_33 = arith.constant 19 : i32
    %eq3A_34 = arith.cmpi eq, %arg0, %eq3A_33 : i32
    %convert_element_type3A_35 = arith.extui %eq3A_34 : i1 to i32
    %cond3A_36 = arith.constant 0 : i32
    %cond3A_37 = arith.cmpi ne, %convert_element_type3A_35, %cond3A_36 : i32
    scf.if %cond3A_37 {
      %get3A_38 = arith.constant 0 : index
      %get3A_39 = arith.constant 0 : index
      %get3A_40 = vector.load %arg7[%get3A_38, %get3A_39] : memref<1x16xi32, #tpu.memory_space<vmem>>, vector<1x16xi32>
      %swap3A = arith.constant 0 : index
      %swap3A_41 = arith.constant 0 : index
      %swap3A_42 = vector.load %arg4[%swap3A, %swap3A_41] : memref<1x16xi32, #tpu.memory_space<vmem>>, vector<1x16xi32>
      tpu.vector_store %arg4[%swap3A, %swap3A_41], %get3A_40 {strides = array<i32>} : memref<1x16xi32, #tpu.memory_space<vmem>>, vector<1x16xi32>,
      %get3A_43 = arith.constant 0 : index
      %get3A_44 = arith.constant 0 : index
      %get3A_45 = vector.load %arg3[%get3A_43, %get3A_44] : memref<1x1xf32, #tpu.memory_space<vmem>>, vector<1x1xf32>
      %reduce_sum3A_46 = vector.shape_cast %get3A_45 : vector<1x1xf32> to vector<1x1x1xf32>
      %reduce_sum3A_47 = arith.constant dense<0.000000e+00> : vector<1xf32>
      %reduce_sum3A_48 = vector.multi_reduction <add>, %reduce_sum3A_46, %reduce_sum3A_47 [1, 2] : vector<1x1x1xf32> to vector<1xf32>
      %reduce_sum3A_49 = vector.shape_cast %reduce_sum3A_48 : vector<1xf32> to vector<1x1x1xf32>
      %reduce_sum3A_50 = vector.extract %reduce_sum3A_49[0, 0, 0] : f32 from vector<1x1x1xf32>
      %broadcast_in_dim3A_51 = vector.broadcast %reduce_sum3A_50 : f32 to vector<1x1xf32>
      %swap3A_52 = arith.constant 0 : index
      %swap3A_53 = arith.constant 0 : index
      %swap3A_54 = vector.load %arg5[%swap3A_52, %swap3A_53] : memref<1x1xf32, #tpu.memory_space<vmem>>, vector<1x1xf32>
      tpu.vector_store %arg5[%swap3A_52, %swap3A_53], %broadcast_in_dim3A_51 {strides = array<i32>} : memref<1x1xf32, #tpu.memory_space<vmem>>, vector<1x1xf32>,
    } else {
    }
    return
  }
  func.func @transform_0(%arg0: i32) -> (i32, i32, i32) {
    %c0_i32 = arith.constant 0 : i32
    %c0_i32_0 = arith.constant 0 : i32
    %c0_i32_1 = arith.constant 0 : i32
    %c0_i32_2 = arith.constant 0 : i32
    return %c0_i32, %c0_i32_0, %c0_i32_1 : i32, i32, i32
  }
  func.func @transform_1(%arg0: i32) -> (i32, i32) {
    %c0_i32 = arith.constant 0 : i32
    %c0_i32_0 = arith.constant 0 : i32
    return %arg0, %c0_i32 : i32, i32
  }
  func.func @transform_2(%arg0: i32) -> (i32, i32) {
    %c0_i32 = arith.constant 0 : i32
    %c0_i32_0 = arith.constant 0 : i32
    %c0_i32_1 = arith.constant 0 : i32
    return %c0_i32, %c0_i32_0 : i32, i32
  }
  func.func @transform_3(%arg0: i32) -> (i32, i32) {
    %c0_i32 = arith.constant 0 : i32
    %c0_i32_0 = arith.constant 0 : i32
    %c0_i32_1 = arith.constant 0 : i32
    return %c0_i32, %c0_i32_0 : i32, i32
  }
  func.func @transform_4(%arg0: i32) -> (i32, i32) {
    %c0_i32 = arith.constant 0 : i32
    %c0_i32_0 = arith.constant 0 : i32
    %c0_i32_1 = arith.constant 0 : i32
    return %c0_i32, %c0_i32_0 : i32, i32
  }
}

</mosaic_0001>

<sc_bundles>
// kernel: kernel.4.cloned.1.call-start
scs
__scs_entry_jumppad:
0x0: {  	(pc) =	sbr.rel $0x88, $3  }
0x1: {  	(tag) =	ssettag $0x0;
	lr =	simm.s32 $0x1  }
0x2: {  	[smem:$0x3F9D] =	sst lr;
	_ =	strace $0xD0000000  }
0x3: {  	_ = 	snop  }
0x4: {  	_ = 	snop  }
0x5: {  	_ = 	snop  }
0x6: {  	_ = 	snop  }
0x7: {  	_ = 	snop  }
__scs_overlays_trampoline_lowered:
0x8: {  	[smem:$0x3FAC] =	sst s0  }
0x9: {  	[smem:$0x3FAD] =	sst s1  }
0xa: {  	[smem:$0x3FAE] =	sst s2  }
0xb: {  	[smem:$0x3FAF] =	sst s3  }
0xc: {  	[smem:$0x3FB0] =	sst s4  }
0xd: {  	[smem:$0x3FB1] =	sst s5  }
0xe: {  	[smem:$0x3FB2] =	sst s6  }
0xf: {  	[smem:$0x3FB3] =	sst s7  }
0x10: {  	[smem:$0x3FB4] =	sst s8  }
0x11: {  	[smem:$0x3FB5] =	sst s9;
	s0 =	simm.s32 @!p0 $0x0  }
0x12: {  	s1 =	sld [smem:$0x3F9B];
	s0 =	simm.s32 @p0 $0x1  }
0x13: {  	[smem:$0x3FB6] =	sst s0;
	s0 =	simm.s32 @!p1 $0x0  }
0x14: {  	s2 =	sld [smem:$0x3F9A];
	s0 =	simm.s32 @p1 $0x1  }
0x15: {  	[smem:$0x3FB7] =	sst s0;
	s0 =	simm.s32 @!p2 $0x0  }
0x16: {  	s3 =	sld [smem:$0x3FDB];
	s0 =	simm.s32 @p2 $0x1  }
0x17: {  	s4 =	simm.s32 $0x1BF5;
	[smem:$0x3FB9] =	sst s0  }
0x18: {  	s0 =	sld [smem:$0x3F9C];
	_ =	swait.ge [sflag:s4], $0x0  }
0x19: {  	s7 =	sld [smem:$0x3F9D]  }
0x1a: {  	s8 =	sadd.s32 $0xFFFFE003, lr  }
0x1b: {  	s9 =	sadd.s32 $0xFFFFFEF7, lr;
	s5 =	simm.s32 $0xFFFFFFFF;
	p2 =	slt.u32 s8, $0xFFFFF086  }
0x1c: {  	p1 =	slt.u32 s9, $0xF7A;
	s5 =	simm.s32 @!p2 $0x0  }
0x1d: {  	s5 =	simm.s32 @p1 $0x1;
	p0 =	seq.s32 s7, s2  }
0x1e: {  	s7 =	smul.u32 @!p0 $0xF7A, s2;
	p2 =	seq.s32 @!p0 s5, $0x0  }
0x1f: {  	s9 =	smul.u32 $0xF7A, s1;
	s8 =	simm.s32 @!p0 $0x1BF5;
	p2 =	por !p2, p0  }
0x20: {  	[sflag:s8] =	ssyncset.s32 @!p0 $0xFFFFF086;
	s6 =	sadd.s32 @!p0 s3, s7;
	s7 =	simm.s32 @!p0 $0x108  }
0x21: {  	s3 =	sadd.s32 s3, s9;
	s6 =	sadd.s32 @!p0 $0x88, s6;
	s7 =	simm.s32 @p2 $0x1082  }
0x22: {  	[simem:s7], [sflag:s8] =	dma.local @!p0 [hbm:s6], $0xF7A  }
0x23: {  	s9 =	sor.u32 $0xD0000000, s2;
	s6 =	simm.s32 $0x108;
	_ =	swait.ge @!p0 [sflag:s8], $0x0  }
0x24: {  	s3 =	sadd.s32 $0x88, s3;
	s6 =	simm.s32 @!p1 $0x1082;
	[sflag:s4] =	ssyncset.s32 $0xFFFFF086  }
0x25: {  	[simem:s6], [sflag:s4] =	dma.local [hbm:s3], $0xF7A  }
0x26: {  	[smem:$0x3F9D] =	sst s1;
	(tag) =	ssettag s2;
	_ =	strace s9  }
0x27: {  	s1 =	sld [smem:$0x3FAD]  }
0x28: {  	s2 =	sld [smem:$0x3FAE]  }
0x29: {  	s4 =	sld [smem:$0x3FB0]  }
0x2a: {  	p0 =	seq.s32 s5, $0x0;
	s5 =	sld [smem:$0x3FB1]  }
0x2b: {  	s6 =	sld [smem:$0x3FB2]  }
0x2c: {  	s7 =	sld [smem:$0x3FB3]  }
0x2d: {  	s3 =	simm.s32 $0x108;
	s8 =	sld [smem:$0x3FB4]  }
0x2e: {  	s3 =	simm.s32 @!p0 $0x1082;
	s9 =	sld [smem:$0x3FB5]  }
0x2f: {  	lr =	sadd.s32 s0, s3;
	s0 =	sld [smem:$0x3FAC]  }
0x30: {  	s3 =	sld [smem:$0x3FAF]  }
0x31: {  	[smem:$0x3FB8] =	sst s10  }
0x32: {  	s10 =	sld [smem:$0x3FB6];
	_ =	sdelay $0x3  }
0x33: {  	p0 =	seq.s32 s10, $0x1;
	s10 =	sld [smem:$0x3FB8];
	_ =	sdelay $0x3  }
0x34: {  	[smem:$0x3FB8] =	sst s10  }
0x35: {  	s10 =	sld [smem:$0x3FB7];
	_ =	sdelay $0x3  }
0x36: {  	p1 =	seq.s32 s10, $0x1;
	s10 =	sld [smem:$0x3FB8];
	_ =	sdelay $0x3  }
0x37: {  	[smem:$0x3FB8] =	sst s10  }
0x38: {  	s10 =	sld [smem:$0x3FB9]  }
0x39: {  	_ = 	snop;
	(pc) =	sbr.ind lr, $3  }
0x3a: {  	_ = 	snop  }
0x3b: {  	_ = 	snop  }
0x3c: {  	p2 =	seq.s32 s10, $0x1;
	s10 =	sld [smem:$0x3FB8]  }
0x3d: {  	_ =	shalt  }
0x3e: {  	_ =	shalt  }
0x3f: {  	_ =	shalt  }
0x40: {  	_ =	shalt  }
0x41: {  	_ =	shalt  }
0x42: {  	_ =	shalt  }
0x43: {  	_ =	shalt  }
0x44: {  	_ =	shalt  }
0x45: {  	_ =	shalt  }
0x46: {  	_ =	shalt  }
0x47: {  	_ =	shalt  }
0x48: {  	_ =	shalt  }
0x49: {  	_ =	shalt  }
0x4a: {  	_ =	shalt  }
0x4b: {  	_ =	shalt  }
0x4c: {  	_ =	shalt  }
0x4d: {  	_ =	shalt  }
0x4e: {  	_ =	shalt  }
0x4f: {  	_ =	shalt  }
0x50: {  	_ =	shalt  }
0x51: {  	_ =	shalt  }
0x52: {  	_ =	shalt  }
0x53: {  	_ =	shalt  }
0x54: {  	_ =	shalt  }
0x55: {  	_ =	shalt  }
0x56: {  	_ =	shalt  }
0x57: {  	_ =	shalt  }
0x58: {  	_ =	shalt  }
0x59: {  	_ =	shalt  }
0x5a: {  	_ =	shalt  }
0x5b: {  	_ =	shalt  }
0x5c: {  	_ =	shalt  }
0x5d: {  	_ =	shalt  }
0x5e: {  	_ =	shalt  }
0x5f: {  	_ =	shalt  }
0x60: {  	_ =	shalt  }
0x61: {  	_ =	shalt  }
0x62: {  	_ =	shalt  }
0x63: {  	_ =	shalt  }
0x64: {  	_ =	shalt  }
0x65: {  	_ =	shalt  }
0x66: {  	_ =	shalt  }
0x67: {  	_ =	shalt  }
0x68: {  	_ =	shalt  }
0x69: {  	_ =	shalt  }
0x6a: {  	_ =	shalt  }
0x6b: {  	_ =	shalt  }
0x6c: {  	_ =	shalt  }
0x6d: {  	_ =	shalt  }
0x6e: {  	_ =	shalt  }
0x6f: {  	_ =	shalt  }
0x70: {  	_ =	shalt  }
0x71: {  	_ =	shalt  }
0x72: {  	_ =	shalt  }
0x73: {  	_ =	shalt  }
0x74: {  	_ =	shalt  }
0x75: {  	_ =	shalt  }
0x76: {  	_ =	shalt  }
0x77: {  	_ =	shalt  }
0x78: {  	_ =	shalt  }
0x79: {  	_ =	shalt  }
0x7a: {  	_ =	shalt  }
0x7b: {  	_ =	shalt  }
0x7c: {  	_ =	shalt  }
0x7d: {  	_ =	shalt  }
0x7e: {  	_ =	shalt  }
0x7f: {  	_ =	shalt  }
0x80: {  	_ =	shalt  }
0x81: {  	_ =	shalt  }
0x82: {  	_ =	shalt  }
0x83: {  	_ =	shalt  }
0x84: {  	_ =	shalt  }
0x85: {  	_ =	shalt  }
0x86: {  	_ =	shalt  }
0x87: {  	_ =	shalt  }
.Lfunc_end0:
.L_simem_size_0:
called_computation_lowered:
.L_overlay_start_0:
0x88: {  	s2 =	sld [smem:$0x3FD9]  }
0x89: {  	s3 =	sld [smem:$0x3FFE];
	_ =	sdelay $0x1  }
0x8a: {  	s1 =	srdreg.scid  }
0x8b: {  	s0 =	sand.u32 $0x1, s1  }
0x8c: {  	s14 =	sshll.u32 s0, $0xA;
	s2 =	sadd.s32 s3, s2  }
0x8d: {  	s2 =	sadd.s32 s2, s14  }
0x8e: {  	[smem:$0x3FC4] =	sst s2  }
0x8f: {  	_ = 	snop  }
0x90: {  	s2 =	sld [smem:$0x3FD0];
	_ =	sdelay $0x2  }
0x91: {  	s15 =	simm.s32 $0xA;
	s4 =	simm.s32 $0x10  }
0x92: {  	[smem:s4], [sflag:s15] =	dma.local [hbm:s2], $0x1  }
0x93: {  	_ =	swait.eq [sflag:s15], $0x1  }
0x94: {  	[sflag:s15] =	ssyncset.done $0x0  }
0x95: {  	[sflag:s15] =	ssyncadd.s32 $0xFFFFFFFF  }
0x96: {  	s16 =	sld [smem:$0x10];
	(tm) =	ssettm $0x1  }
0x97: {  	s17 =	sld [smem:$0x3FFB];
	_ =	sdelay $0x3  }
0x98: {  	_ =	strace s17  }
0x99: {  	s3 =	sld [smem:$0x3FFC];
	_ =	sdelay $0x3  }
0x9a: {  	_ =	strace s3  }
0x9b: {  	s3 =	sld [smem:$0x3FFD];
	_ =	sdelay $0x3  }
0x9c: {  	_ =	strace s3  }
0x9d: {  	_ =	strace $0x8FFFFFFF  }
0x9e: {  	s18 =	sld [smem:$0x3FDB];
	_ =	sdelay $0x1  }
0x9f: {  	s19 =	simm.s32 $_scs_section_size  }
0xa0: {  	s5 =	simm.s32 $_size__tile_overlayer_lowered;
	s6 =	simm.s32 $_tile_overlayer_lowered  }
0xa1: {  	s22 =	simm.s32 $0x1BFF;
	s21 =	sshll.u32 s6, $0x1;
	s3 =	sadd.s32 s19, s18  }
0xa2: {  	s7 =	simm.s32 $0x0;
	s20 =	sshll.u32 s5, $0x1;
	s5 =	sadd.s32 s21, s3  }
0xa3: {  	[timem:s7], [sflag:s22] =	dma.local [hbm:s5], s20  }
0xa4: {  	_ =	swait.ge [sflag:s22], s20  }
0xa5: {  	s4 =	ssub.s32 $0x0, s20;
	[sflag:s22] =	ssyncset.done $0x0  }
0xa6: {  	[sflag:s22] =	ssyncadd.s32 s4;
	_ =	sdelay $0x1  }
0xa7: {  	s23 =	simm.s32 $0x1B8B  }
0xa8: {  	_ =	swait.ge [sflag:s23], $0x1  }
0xa9: {  	[sflag:s23] =	ssyncset.done $0x0  }
0xaa: {  	s25 =	simm.s32 $0x1B8E;
	s24 =	sld [smem:$0x3FFE];
	[sflag:s23] =	ssyncadd.s32 $0xFFFFFFFF  }
0xab: {  	s26 =	simm.s32 $execute0_lowered;
	[smem:$0x3FD2] =	sst s25  }
0xac: {  	s5 =	sshll.u32 s26, $0x1;
	_ =	strace $0x80000046;
	[dreg:$0x1] =	wrdreg $0xFFFFFFFF  }
0xad: {  	s28 =	simm.s32 $_size_execute0_lowered;
	s3 =	sadd.s32 s3, s5;
	[dreg:$0x0] =	wrdreg $0x0  }
0xae: {  	s5 =	sshll.u32 s28, $0x1;
	[dreg:$0x2] =	wrdreg s3  }
0xaf: {  	[dreg:$0x3] =	wrdreg s5  }
0xb0: {  	[dreg:$0x4] =	wrdreg $0xC0  }
0xb1: {  	_ =	task [dreg:s7], $0x5FFFF  }
0xb2: {  	[dreg:$0x1] =	wrdreg $0xFFFFFFFF  }
0xb3: {  	[dreg:$0x0] =	wrdreg $0x60  }
0xb4: {  	[dreg:$0x2] =	wrdreg s24  }
0xb5: {  	[dreg:$0x3] =	wrdreg s16  }
0xb6: {  	[dreg:$0x4] =	wrdreg $0x9  }
0xb7: {  	_ =	task.clear_ibuf [dreg:s7], $0x5FFFF;
	_ =	strace $0x90000046  }
0xb8: {  	s29 =	simm.s32 $0x9;
	_ =	strace $0x80000048  }
0xb9: {  	_ =	swait.ge [sflag:s29], $0x1  }
0xba: {  	[sflag:s29] =	ssyncadd.s32 $0xFFFFFFFF  }
0xbb: {  	_ =	strace $0x90000048  }
0xbc: {  	_ =	sfence  }
0xbd: {  	s30 =	sld [smem:$0x0];
	_ =	sdelay $0x2  }
0xbe: {  	s31 =	sshll.u32 s1, $0xD;
	s1 =	sshrl.u32 s1, $0x2  }
0xbf: {  	s3 =	sand.u32 $0x4000, s31;
	s1 =	sadd.s32 s1, s30  }
0xc0: {  	s0 =	sor.u32 s3, s0;
	s1 =	sshll.u32 s1, $0x11  }
0xc1: {  	s0 =	sor.u32 s1, s0  }
0xc2: {  	s0 =	sadd.s32 $0x8F2B, s0  }
0xc3: {  	[sflag:s0] =	ssyncadd.remote.s32 $0x1  }
0xc4: {  	_ =	sfence.sel $0xFFFF  }
0xc5: {  	[dreg:$0x0] =	wrdreg $0xFFFFFFFF;
	(pc) =	sbr.abs _section_cstart, $3  }
0xc6: {  	[dreg:$0x1] =	wrdreg $0xFFFFFFFF  }
0xc7: {  	_ =	task.clear_ibuf [dreg:s7], $0x2FFFF;
	_ =	strace $0x9FFFFFFF  }
0xc8: {  	(tm) =	ssettm $0x7FFFFFFF  }
0xc9: {  	_ =	shalt  }
tec
execute0_lowered:
.L_overlay_start_1:
0x0: {  	(tag) =	ssettag $0x1  }
0x1: {  	s2 =	stileid.u32  }
0x2: {  	p0 =	sne.s32 s2, $0x0  }
.Ltmp0:
0x3: {  	_ = 	snop;
	(pc) =	sbr.rel @p0 .LBB2_4-.Ltmp0, $4  }
0x4: {  	s7 =	rddreg [dreg:$0x0]  }
0x5: {  	s11 =	rddreg [dreg:$0x1];
	s1 =	simm.s32 $0x0  }
0x6: {  	[smem:$0x7FF] =	sst s1  }
0x7: {  	s0 =	rddreg [dreg:$0x2];
	_ =	strace $0x80000047  }
0x8: {  	s2 =	srdreg.scid  }
0x9: {  	s3 =	sadd.s32 $0xA00, s7;
	s12 =	sand.u32 $0x1, s2  }
0xa: {  	s2 =	simm.s32 $0x2;
	s3 =	sadd.s32 s3, s12  }
0xb: {  	[tilespmem:s1], [sflag:$0x2] =	stream.linear.gather [hbm4b:s3+s1], $0x8, $0x38;
	[tilespmem:$0x1480] =	vst v63  }
0xc: {  	_ =	swait.ge [sflag:s2], $0x8  }
0xd: {  	[sflag:s2] =	ssyncset.done $0x0  }
0xe: {  	[sflag:s2] =	ssyncadd.s32 $0xFFFFFFF8  }
0xf: {  	v0 =	vld.msk [tilespmem:$0x0], $0xff;
	_ =	sdelay $0x4  }
0x10: {  	v1 =	vshrl.u32 v0, $0x3  }
0x11: {  	v1 =	vmul.u32 $0x28, v1  }
0x12: {  	v2 =	vlaneseq.u32;
	v3 =	vand.u32 $0x7, v0  }
0x13: {  	v0 =	vand.u32 $0x7, v2;
	v2 =	vshrl.u32 v2, $0x3;
	v3 =	vor.u32 v3, v1  }
0x14: {  	v1 =	vmul.u32 $0x8, v2;
	v2 =	vperm.xlane v3, v0;
	_ =	sdelay $0x1  }
0x15: {  	v2 =	vadd.s32 v1, v2;
	_ =	sdelay $0x2  }
0x16: {  	s4 =	sadd.s32 $0x188C00, s7;
	s13 =	ssub.s32 $0x2, s12  }
0x17: {  	s5 =	sadd.s32 $0x188D00, s7;
	vm0 =	vmmov $0xffff;
	s6 =	simm.s32 $0x80;
	s14 =	sshrl.u32 s13, $0x1  }
0x18: {  	[tilespmem:s6], [sflag:$0x1] =	stream.indirect_vreg.gather [hbm4b:s4+s1], $0x80, v2, vm0, $0xb8;
	[tilespmem:$0x1480] =	vst v63  }
0x19: {  	s7 =	sadd.s32 $0x188E00, s7;
	s8 =	simm.s32 $0x880;
	s13 =	ssub.s32 s13, s14  }
0x1a: {  	[tilespmem:s8], [sflag:$0x1] =	stream.indirect_vreg.gather [hbm4b:s5+s1], $0x80, v2, vm0, $0xb8;
	[tilespmem:$0x1480] =	vst v63  }
0x1b: {  	vm1 =	vmmov $0xff;
	s9 =	simm.s32 $0x1080;
	s10 =	simm.s32 $0x1;
	s31 =	smax.u32 s13, $0x1  }
0x1c: {  	[tilespmem:s9], [sflag:$0x1] =	stream.indirect_vreg.gather [hbm4b:s7+s1], $0x80, v2, vm1, $0xb8;
	[tilespmem:$0x1480] =	vst v63  }
0x1d: {  	s12 =	smul.u32 $0x280, s12;
	p1 =	sne.s32 s31, $0x1;
	_ =	swait.ge [sflag:s10], $0x1400  }
.Ltmp1:
0x1e: {  	[sflag:s10] =	ssyncset.done $0x0;
	(pc) =	sbr.rel @!p1 .LBB2_3-.Ltmp1, $4  }
0x1f: {  	s11 =	sadd.s32 s11, s12;
	[sflag:s10] =	ssyncadd.s32 $0xFFFFEC00  }
0x20: {  	[hbm4b:s11+s1] =	stream.linear.scatter [tilespmem:s6], [sflag:$0x2], $0x1400, $0x38;
	[tilespmem:$0x1480] =	vst v63  }
0x21: {  	_ =	swait.ge [sflag:s2], $0x1400  }
0x22: {  	s12 =	sadd.s32 $0xFFFFFFFF, s31;
	[sflag:s2] =	ssyncset.done $0x0  }
.LBB2_2:
0x23: {  	p1 =	sne.s32 s12, $0x1;
	s12 =	sadd.s32 $0xFFFFFFFF, s12;
	[sflag:s2] =	ssyncadd.s32 $0xFFFFEC00  }
0x24: {  	[tilespmem:s1], [sflag:$0x2] =	stream.linear.gather [hbm4b:s3+s1], $0x8, $0x38;
	[tilespmem:$0x1480] =	vst v63  }
0x25: {  	_ =	swait.ge [sflag:s2], $0x8  }
0x26: {  	[sflag:s2] =	ssyncset.done $0x0  }
0x27: {  	[sflag:s2] =	ssyncadd.s32 $0xFFFFFFF8  }
0x28: {  	v2 =	vld.msk [tilespmem:$0x0], $0xff;
	_ =	sdelay $0x4  }
0x29: {  	v3 =	vshrl.u32 v2, $0x3  }
0x2a: {  	v3 =	vmul.u32 $0x28, v3  }
0x2b: {  	v2 =	vand.u32 $0x7, v2  }
0x2c: {  	v2 =	vor.u32 v2, v3  }
0x2d: {  	v2 =	vperm.xlane v2, v0;
	_ =	sdelay $0x1  }
0x2e: {  	v2 =	vadd.s32 v1, v2;
	_ =	sdelay $0x4  }
0x2f: {  	[tilespmem:s6], [sflag:$0x1] =	stream.indirect_vreg.gather [hbm4b:s4+s1], $0x80, v2, vm0, $0xb8;
	[tilespmem:$0x1480] =	vst v63  }
0x30: {  	_ = 	snop  }
0x31: {  	[tilespmem:s8], [sflag:$0x1] =	stream.indirect_vreg.gather [hbm4b:s5+s1], $0x80, v2, vm0, $0xb8;
	[tilespmem:$0x1480] =	vst v63  }
0x32: {  	_ = 	snop  }
0x33: {  	[tilespmem:s9], [sflag:$0x1] =	stream.indirect_vreg.gather [hbm4b:s7+s1], $0x80, v2, vm1, $0xb8;
	[tilespmem:$0x1480] =	vst v63  }
0x34: {  	_ =	swait.ge [sflag:s10], $0x1400  }
.Ltmp2:
0x35: {  	[sflag:s10] =	ssyncset.done $0x0;
	(pc) =	sbr.rel @p1 .LBB2_2-.Ltmp2, $4  }
0x36: {  	[sflag:s10] =	ssyncadd.s32 $0xFFFFEC00  }
0x37: {  	[hbm4b:s11+s1] =	stream.linear.scatter [tilespmem:s6], [sflag:$0x2], $0x1400, $0x38;
	[tilespmem:$0x1480] =	vst v63  }
0x38: {  	_ =	swait.ge [sflag:s2], $0x1400  }
0x39: {  	[sflag:s2] =	ssyncset.done $0x0  }
.LBB2_3:
0x3a: {  	[sflag:s2] =	ssyncadd.s32 $0xFFFFEC00  }
.LBB2_4:
0x3b: {  	_ =	sfence.sel $0x180000  }
0x3c: {  	[bflag:$0x0] =	sbarrier.arrive $0xFFFF  }
0x3d: {  	_ =	strace $0x90000047  }
0x3e: {  	s0 =	sadd.s32 @!p0 $0x100000, s0;
	[bflag:$0x2] =	sbarrier.arrive $0xFFFF  }
0x3f: {  	[sflag:s0] =	ssyncadd.tile.s32 @!p0 $0x1;
	_ =	shalt  }
.Lfunc_end2:
_tile_overlayer_lowered:
.L_overlay_start_2:
0x40: {  	(tag) =	ssettag $0x2  }
0x41: {  	s0 =	rddreg [dreg:$0x0];
	s2 =	stileid.u32  }
0x42: {  	s1 =	rddreg [dreg:$0x1];
	p0 =	sne.s32 s2, $0x0  }
0x43: {  	s3 =	rddreg [dreg:$0x2];
	[bflag:$0x3] =	sbarrier.arrive $0xFFFF;
	s2 =	simm.s32 @!p0 $0x1C02  }
0x44: {  	[timem:s3], [sflag:s2] =	dma.local @!p0 [hbm:s0], s1  }
0x45: {  	s0 =	simm.s32 @!p0 $0x2  }
0x46: {  	_ =	swait.ge @!p0 [sflag:s0], s1  }
0x47: {  	s1 =	ssub.s32 @!p0 $0x0, s1;
	[sflag:s0] =	ssyncset.done @!p0 $0x0  }
0x48: {  	[sflag:s0] =	ssyncadd.s32 @!p0 s1  }
0x49: {  	[bflag:$0x3] =	sbarrier.arrive $0xFFFF  }
0x4a: {  	_ =	shalt  }

</sc_bundles>
